<compile_context>
chip_gen: v7x
topology: tpu7x:2x2x1
jax: 0.10.2.dev20260603
libtpu: 0.0.44.dev20260713+nightly
codegen_flags: <defaults>
</compile_context>

<pallas_src>
import functools

import jax
import jax.numpy as jnp
from jax import lax
from jax.experimental import pallas as pl
from jax.experimental.pallas import tpu as pltpu
from jax.experimental.pallas import tpu_sc as plsc

_K = 16
_R2 = 0.25 * 0.25
_B, _N, _C = 2, 4096, 3
_LANES = 16
_NCHUNK = _N // _LANES
_NW = 32
_QPW = (_B * _N) // _NW
_U = 4


def _ball_qloss_sc(xs, fs):
    mesh = plsc.VectorSubcoreMesh(core_axis_name="c", subcore_axis_name="s")

    @functools.partial(
        pl.kernel,
        mesh=mesh,
        compiler_params=pltpu.CompilerParams(needs_layout_passes=False),
        out_type=jax.ShapeDtypeStruct((_NW, _LANES), jnp.float32),
        scratch_types=[
            pltpu.VMEM((3 * _N,), jnp.float32),
            pltpu.VMEM((3 * _N,), jnp.float32),
            pltpu.VMEM((128,), jnp.int32),
            pltpu.VMEM((_LANES,), jnp.float32),
        ],
    )
    def k(xs_hbm, fs_hbm, out_hbm, x_v, f_v, idx_v, acc_v):
        w = lax.axis_index("s") * 2 + lax.axis_index("c")
        b = w // 16
        qbase = (w % 16) * _QPW
        pltpu.sync_copy(xs_hbm.at[pl.ds(b * 3 * _N, 3 * _N)], x_v)
        pltpu.sync_copy(fs_hbm.at[pl.ds(b * 3 * _N, 3 * _N)], f_v)
        for z in range(0, 128, _LANES):
            idx_v[pl.ds(z, _LANES)] = jnp.zeros((_LANES,), jnp.int32)
        lanes = lax.iota(jnp.int32, _LANES)

        def qbody(q, acc):
            qi = qbase + q
            qiv = jnp.full((_LANES,), qi, jnp.int32)
            xi = plsc.load_gather(x_v, [qiv])
            yi = plsc.load_gather(x_v, [qiv + _N])
            zi = plsc.load_gather(x_v, [qiv + 2 * _N])

            def cond(st):
                cnt, ch = st
                return (cnt < _K) & (ch < _NCHUNK // _U)

            def body(st):
                cnt, ch = st
                base = ch * (_LANES * _U)
                for u in range(_U):
                    j0 = base + u * _LANES
                    dx = x_v[pl.ds(j0, _LANES)] - xi
                    dy = x_v[pl.ds(_N + j0, _LANES)] - yi
                    dz = x_v[pl.ds(2 * _N + j0, _LANES)] - zi
                    d2 = dx * dx + dy * dy + dz * dz
                    m = d2 < _R2
                    plsc.store_compressed(
                        idx_v.at[pl.ds(cnt, _LANES)], j0 + lanes, mask=m)
                    pc = plsc.all_reduce_population_count(m)
                    cnt = cnt + pc[0]
                return cnt, ch + 1

            cnt, _ = lax.while_loop(cond, body, (jnp.int32(0), jnp.int32(0)))

            ib = idx_v[pl.ds(0, _LANES)]
            first = plsc.load_gather(idx_v, [jnp.zeros((_LANES,), jnp.int32)])
            idxv = jnp.where(lanes < cnt, ib, first)
            dfx = plsc.load_gather(f_v, [idxv]) - plsc.load_gather(f_v, [qiv])
            dfy = plsc.load_gather(f_v, [idxv + _N]) - plsc.load_gather(
                f_v, [qiv + _N])
            dfz = plsc.load_gather(f_v, [idxv + 2 * _N]) - plsc.load_gather(
                f_v, [qiv + 2 * _N])
            n2 = dfx * dfx + dfy * dfy + dfz * dfz
            iy = lax.bitcast_convert_type(n2, jnp.int32)
            iy = jnp.int32(0x5F3759DF) - lax.shift_right_logical(iy, 1)
            y = lax.bitcast_convert_type(iy, jnp.float32)
            for _ in range(3):
                y = y * (1.5 - 0.5 * (n2 * y) * y)
            return acc + n2 * y

        acc = lax.fori_loop(0, _QPW, qbody, jnp.zeros((_LANES,), jnp.float32))
        acc_v[...] = acc
        pltpu.sync_copy(acc_v, out_hbm.at[w])

    return k(xs, fs)


def kernel(pc_source, pred_flow):
    xs = jnp.transpose(pc_source, (0, 2, 1)).reshape(-1)
    fs = jnp.transpose(pred_flow, (0, 2, 1)).reshape(-1)
    out = _ball_qloss_sc(xs, fs)
    return jnp.sum(out) / (_B * _N * _K)

# --- scband reference (transcript-rebuilt; emitter-appended) ---
"""Pipeline reference for scband-ball-qloss-46832323395805 (READ-ONLY COPY).

The authoritative reference and input builder live on the scoring server;
editing this copy changes nothing except your own understanding.
"""

import jax, jax.numpy as jnp
import numpy as np

K = 16
RADIUS = 0.25
LOSS_NORM = 2
B, N, C = 2, 4096, 3


def setup_inputs(seed: int = 0) -> dict:
    key = jax.random.key(seed)
    k1, k2 = jax.random.split(key)
    pc_source = jax.random.uniform(k1, (B, N, C), dtype=jnp.float32)
    pred_flow = jax.random.normal(k2, (B, N, C), dtype=jnp.float32)
    return {"pc_source": pc_source, "pred_flow": pred_flow}


def _ball_query(radius, k, xyz, new_xyz):
    # xyz: [B, N, 3] database points, new_xyz: [B, M, 3] query points
    # returns idx: [B, M, k] int32; first-found semantics with padding by first
    # found index (0 if no neighbor within radius), matching pointnet2 CUDA kernel.
    d2 = jnp.sum((new_xyz[:, :, None, :] - xyz[:, None, :, :]) ** 2, axis=-1)  # [B,M,N]
    mask = d2 < (radius ** 2)
    n = mask.shape[-1]
    ar = jnp.arange(n)
    # composite key: in-radius points keep original index order, others pushed after
    skey = jnp.where(mask, ar[None, None, :], ar[None, None, :] + n)
    order = jnp.argsort(skey, axis=-1)  # [B,M,N], valid neighbors first, in index order
    first_k = order[..., :k]  # [B,M,k]
    num_true = jnp.sum(mask, axis=-1)  # [B,M]
    first = jnp.where(num_true[..., None] > 0, first_k[..., :1], 0)
    slot = jnp.arange(k)
    idx = jnp.where(slot[None, None, :] < num_true[..., None], first_k, first)
    return idx.astype(jnp.int32)


def _grouping_operation(flow, idx):
    # flow: [B, C, N], idx: [B, M, k] -> [B, C, M, k]
    b, c, n = flow.shape
    m, k = idx.shape[1], idx.shape[2]
    flow_t = jnp.transpose(flow, (0, 2, 1))  # [B, N, C]
    idx_flat = idx.reshape(b, m * k)
    gathered = jnp.take_along_axis(flow_t, idx_flat[..., None].astype(jnp.int32), axis=1)  # [B, M*k, C]
    gathered = gathered.reshape(b, m, k, c)
    return jnp.transpose(gathered, (0, 3, 1, 2))  # [B, C, M, k]


def reference(pc_source, pred_flow):
    flow = jnp.transpose(pred_flow, (0, 2, 1))  # [B, C, N]
    idx = _ball_query(RADIUS, K, pc_source, pc_source)  # [B, N, K]
    idx = jax.lax.stop_gradient(idx)
    nn_flow = _grouping_operation(flow, idx)  # [B, C, N, K]
    diff = flow[:, :, :, None] - nn_flow  # [B, C, N, K]
    if LOSS_NORM == 2:
        loss = jnp.sqrt(jnp.sum(diff ** 2, axis=1))  # [B, N, K]
    else:
        loss = jnp.sum(jnp.abs(diff) ** LOSS_NORM, axis=1) ** (1.0 / LOSS_NORM)
    loss = jnp.mean(loss, axis=-1)  # [B, N]
    return jnp.mean(loss)

if __name__ == "__main__":
    import jax
    _d = setup_inputs()
    print(jax.jit(kernel)(*tuple(_d.values())))

</pallas_src>

<mosaic_0001>
#map = affine_map<(d0, d1) -> (0)>
#map1 = affine_map<(d0, d1) -> (0, 0)>
module attributes {stable_mosaic.version = 14 : i64} {
  func.func @k(%arg0: i32, %arg1: i32, %arg2: memref<24576xf32, #tpu.memory_space<hbm>>, %arg3: memref<24576xf32, #tpu.memory_space<hbm>>, %arg4: memref<32x16xf32, #tpu.memory_space<hbm>>, %arg5: memref<12288xf32, #tpu.memory_space<vmem>>, %arg6: memref<12288xf32, #tpu.memory_space<vmem>>, %arg7: memref<128xi32, #tpu.memory_space<vmem>>, %arg8: memref<16xf32, #tpu.memory_space<vmem>>) attributes {dimension_semantics = [#tpu.dimension_semantics<core_parallel>, #tpu.dimension_semantics<subcore_parallel>], iteration_bounds = array<i64: 2, 16>, scalar_prefetch = 0 : i64, scratch_operands = 4 : i64, tpu.core_type = #tpu.core_type<sc_vector_subcore>, window_params = [{transform_indices = #map}, {transform_indices = #map}, {transform_indices = #map1}]} {
    %mul3A = arith.constant 2 : i32
    %mul3A_0 = arith.muli %arg1, %mul3A : i32
    %add3A = arith.addi %mul3A_0, %arg0 : i32
    %jit3A = arith.constant 16 : i32
    %div3A = arith.divsi %add3A, %jit3A : i32
    %sign3A = arith.constant 0 : i32
    %sign3A_1 = arith.cmpi sgt, %add3A, %sign3A : i32
    %sign3A_2 = arith.extui %sign3A_1 : i1 to i32
    %sign3A_3 = arith.constant 0 : i32
    %sign3A_4 = arith.cmpi slt, %add3A, %sign3A_3 : i32
    %sign3A_5 = arith.extui %sign3A_4 : i1 to i32
    %sign3A_6 = arith.subi %sign3A_2, %sign3A_5 : i32
    %sign3A_7 = arith.constant 0 : i32
    %sign3A_8 = arith.cmpi sgt, %jit3A, %sign3A_7 : i32
    %sign3A_9 = arith.extui %sign3A_8 : i1 to i32
    %sign3A_10 = arith.constant 0 : i32
    %sign3A_11 = arith.cmpi slt, %jit3A, %sign3A_10 : i32
    %sign3A_12 = arith.extui %sign3A_11 : i1 to i32
    %sign3A_13 = arith.subi %sign3A_9, %sign3A_12 : i32
    %ne3A = arith.cmpi ne, %sign3A_6, %sign3A_13 : i32
    %rem3A = arith.remsi %add3A, %jit3A : i32
    %ne3A_14 = arith.constant 0 : i32
    %ne3A_15 = arith.cmpi ne, %rem3A, %ne3A_14 : i32
    %and3A = arith.andi %ne3A, %ne3A_15 : i1
    %sub3A = arith.constant 1 : i32
    %sub3A_16 = arith.subi %div3A, %sub3A : i32
    %select_n3A = arith.select %and3A, %sub3A_16, %div3A : i32
    %jit3A_17 = arith.constant 16 : i32
    %eq3A = arith.constant 0 : i32
    %eq3A_18 = arith.cmpi eq, %jit3A_17, %eq3A : i32
    %jit3A_19 = arith.constant 1 : i32
    %select_n3A_20 = arith.select %eq3A_18, %jit3A_19, %jit3A_17 : i32
    %rem3A_21 = arith.remsi %add3A, %select_n3A_20 : i32
    %ne3A_22 = arith.constant 0 : i32
    %ne3A_23 = arith.cmpi ne, %rem3A_21, %ne3A_22 : i32
    %lt3A = arith.constant 0 : i32
    %lt3A_24 = arith.cmpi slt, %rem3A_21, %lt3A : i32
    %lt3A_25 = arith.constant 0 : i32
    %lt3A_26 = arith.cmpi slt, %select_n3A_20, %lt3A_25 : i32
    %ne3A_27 = arith.xori %lt3A_24, %lt3A_26 : i1
    %and3A_28 = arith.andi %ne3A_27, %ne3A_23 : i1
    %add3A_29 = arith.addi %rem3A_21, %select_n3A_20 : i32
    %select_n3A_30 = arith.select %and3A_28, %add3A_29, %rem3A_21 : i32
    %mul3A_31 = arith.constant 256 : i32
    %mul3A_32 = arith.muli %select_n3A_30, %mul3A_31 : i32
    %mul3A_33 = arith.constant 3 : i32
    %mul3A_34 = arith.muli %select_n3A, %mul3A_33 : i32
    %mul3A_35 = arith.constant 4096 : i32
    %mul3A_36 = arith.muli %mul3A_34, %mul3A_35 : i32
    "tpu.region"() ({
      %run_scoped3A = tpu.sem_alloc : memref<!tpu.dma_semaphore, #tpu.memory_space<semaphore_mem>>
      %dma_start3A = tpu.memref_slice %arg2[%mul3A_36] : memref<24576xf32, #tpu.memory_space<hbm>> -> memref<12288xf32, #tpu.memory_space<hbm>>
      %dma_start3A_80 = tpu.memref_slice %arg2[%mul3A_36] : memref<24576xf32, #tpu.memory_space<hbm>> -> memref<12288xf32, #tpu.memory_space<hbm>>
      tpu.enqueue_dma source(%dma_start3A_80 : memref<12288xf32, #tpu.memory_space<hbm>>) target(%arg5 : memref<12288xf32, #tpu.memory_space<vmem>>) target_semaphore(%run_scoped3A : memref<!tpu.dma_semaphore, #tpu.memory_space<semaphore_mem>>)
      %dma_wait3A = tpu.memref_slice %arg2[%mul3A_36] : memref<24576xf32, #tpu.memory_space<hbm>> -> memref<12288xf32, #tpu.memory_space<hbm>>
      %dma_wait3A_81 = tpu.memref_slice %arg2[%mul3A_36] : memref<24576xf32, #tpu.memory_space<hbm>> -> memref<12288xf32, #tpu.memory_space<hbm>>
      tpu.wait_dma2 semaphore(%run_scoped3A : memref<!tpu.dma_semaphore, #tpu.memory_space<semaphore_mem>>) src(%dma_wait3A_81 : memref<12288xf32, #tpu.memory_space<hbm>>) dst(%arg5 : memref<12288xf32, #tpu.memory_space<vmem>>)
      tpu.yield
    }) : () -> ()
    %mul3A_37 = arith.constant 3 : i32
    %mul3A_38 = arith.muli %select_n3A, %mul3A_37 : i32
    %mul3A_39 = arith.constant 4096 : i32
    %mul3A_40 = arith.muli %mul3A_38, %mul3A_39 : i32
    "tpu.region"() ({
      %run_scoped3A = tpu.sem_alloc : memref<!tpu.dma_semaphore, #tpu.memory_space<semaphore_mem>>
      %dma_start3A = tpu.memref_slice %arg3[%mul3A_40] : memref<24576xf32, #tpu.memory_space<hbm>> -> memref<12288xf32, #tpu.memory_space<hbm>>
      %dma_start3A_80 = tpu.memref_slice %arg3[%mul3A_40] : memref<24576xf32, #tpu.memory_space<hbm>> -> memref<12288xf32, #tpu.memory_space<hbm>>
      tpu.enqueue_dma source(%dma_start3A_80 : memref<12288xf32, #tpu.memory_space<hbm>>) target(%arg6 : memref<12288xf32, #tpu.memory_space<vmem>>) target_semaphore(%run_scoped3A : memref<!tpu.dma_semaphore, #tpu.memory_space<semaphore_mem>>)
      %dma_wait3A = tpu.memref_slice %arg3[%mul3A_40] : memref<24576xf32, #tpu.memory_space<hbm>> -> memref<12288xf32, #tpu.memory_space<hbm>>
      %dma_wait3A_81 = tpu.memref_slice %arg3[%mul3A_40] : memref<24576xf32, #tpu.memory_space<hbm>> -> memref<12288xf32, #tpu.memory_space<hbm>>
      tpu.wait_dma2 semaphore(%run_scoped3A : memref<!tpu.dma_semaphore, #tpu.memory_space<semaphore_mem>>) src(%dma_wait3A_81 : memref<12288xf32, #tpu.memory_space<hbm>>) dst(%arg6 : memref<12288xf32, #tpu.memory_space<vmem>>)
      tpu.yield
    }) : () -> ()
    %broadcast_in_dim3A = arith.constant 0 : i32
    %broadcast_in_dim3A_41 = vector.broadcast %broadcast_in_dim3A : i32 to vector<16xi32>
    %swap3A = arith.constant 0 : index
    %swap3A_42 = tpu.vector_load %arg7[%swap3A] {strides = array<i32>} : memref<128xi32, #tpu.memory_space<vmem>>, vector<16xi32>,
    tpu.vector_store %arg7[%swap3A], %broadcast_in_dim3A_41 {strides = array<i32>} : memref<128xi32, #tpu.memory_space<vmem>>, vector<16xi32>,
    %broadcast_in_dim3A_43 = arith.constant 0 : i32
    %broadcast_in_dim3A_44 = vector.broadcast %broadcast_in_dim3A_43 : i32 to vector<16xi32>
    %swap3A_45 = arith.constant 16 : index
    %swap3A_46 = tpu.vector_load %arg7[%swap3A_45] {strides = array<i32>} : memref<128xi32, #tpu.memory_space<vmem>>, vector<16xi32>,
    tpu.vector_store %arg7[%swap3A_45], %broadcast_in_dim3A_44 {strides = array<i32>} : memref<128xi32, #tpu.memory_space<vmem>>, vector<16xi32>,
    %broadcast_in_dim3A_47 = arith.constant 0 : i32
    %broadcast_in_dim3A_48 = vector.broadcast %broadcast_in_dim3A_47 : i32 to vector<16xi32>
    %swap3A_49 = arith.constant 32 : index
    %swap3A_50 = tpu.vector_load %arg7[%swap3A_49] {strides = array<i32>} : memref<128xi32, #tpu.memory_space<vmem>>, vector<16xi32>,
    tpu.vector_store %arg7[%swap3A_49], %broadcast_in_dim3A_48 {strides = array<i32>} : memref<128xi32, #tpu.memory_space<vmem>>, vector<16xi32>,
    %broadcast_in_dim3A_51 = arith.constant 0 : i32
    %broadcast_in_dim3A_52 = vector.broadcast %broadcast_in_dim3A_51 : i32 to vector<16xi32>
    %swap3A_53 = arith.constant 48 : index
    %swap3A_54 = tpu.vector_load %arg7[%swap3A_53] {strides = array<i32>} : memref<128xi32, #tpu.memory_space<vmem>>, vector<16xi32>,
    tpu.vector_store %arg7[%swap3A_53], %broadcast_in_dim3A_52 {strides = array<i32>} : memref<128xi32, #tpu.memory_space<vmem>>, vector<16xi32>,
    %broadcast_in_dim3A_55 = arith.constant 0 : i32
    %broadcast_in_dim3A_56 = vector.broadcast %broadcast_in_dim3A_55 : i32 to vector<16xi32>
    %swap3A_57 = arith.constant 64 : index
    %swap3A_58 = tpu.vector_load %arg7[%swap3A_57] {strides = array<i32>} : memref<128xi32, #tpu.memory_space<vmem>>, vector<16xi32>,
    tpu.vector_store %arg7[%swap3A_57], %broadcast_in_dim3A_56 {strides = array<i32>} : memref<128xi32, #tpu.memory_space<vmem>>, vector<16xi32>,
    %broadcast_in_dim3A_59 = arith.constant 0 : i32
    %broadcast_in_dim3A_60 = vector.broadcast %broadcast_in_dim3A_59 : i32 to vector<16xi32>
    %swap3A_61 = arith.constant 80 : index
    %swap3A_62 = tpu.vector_load %arg7[%swap3A_61] {strides = array<i32>} : memref<128xi32, #tpu.memory_space<vmem>>, vector<16xi32>,
    tpu.vector_store %arg7[%swap3A_61], %broadcast_in_dim3A_60 {strides = array<i32>} : memref<128xi32, #tpu.memory_space<vmem>>, vector<16xi32>,
    %broadcast_in_dim3A_63 = arith.constant 0 : i32
    %broadcast_in_dim3A_64 = vector.broadcast %broadcast_in_dim3A_63 : i32 to vector<16xi32>
    %swap3A_65 = arith.constant 96 : index
    %swap3A_66 = tpu.vector_load %arg7[%swap3A_65] {strides = array<i32>} : memref<128xi32, #tpu.memory_space<vmem>>, vector<16xi32>,
    tpu.vector_store %arg7[%swap3A_65], %broadcast_in_dim3A_64 {strides = array<i32>} : memref<128xi32, #tpu.memory_space<vmem>>, vector<16xi32>,
    %broadcast_in_dim3A_67 = arith.constant 0 : i32
    %broadcast_in_dim3A_68 = vector.broadcast %broadcast_in_dim3A_67 : i32 to vector<16xi32>
    %swap3A_69 = arith.constant 112 : index
    %swap3A_70 = tpu.vector_load %arg7[%swap3A_69] {strides = array<i32>} : memref<128xi32, #tpu.memory_space<vmem>>, vector<16xi32>,
    tpu.vector_store %arg7[%swap3A_69], %broadcast_in_dim3A_68 {strides = array<i32>} : memref<128xi32, #tpu.memory_space<vmem>>, vector<16xi32>,
    %iota3A = tpu.iota {dimensions = array<i32: 0>} : vector<16xi32>
    %broadcast_in_dim3A_71 = arith.constant 0.000000e+00 : f32
    %broadcast_in_dim3A_72 = vector.broadcast %broadcast_in_dim3A_71 : f32 to vector<16xf32>
    %scan3A = arith.constant 0 : i32
    %scan3A_73 = arith.constant 256 : i32
    %scan3A_74 = arith.addi %scan3A, %scan3A_73 : i32
    %scan3A_75 = arith.constant 1 : i32
    %scan3A_76 = scf.for %scan3A_80 = %scan3A to %scan3A_74 step %scan3A_75 iter_args(%scan3A_81 = %broadcast_in_dim3A_72) -> (vector<16xf32>)  : i32 {
      %add3A_82 = arith.addi %mul3A_32, %scan3A_80 : i32
      %broadcast_in_dim3A_83 = vector.broadcast %add3A_82 : i32 to vector<16xi32>
      %gather3A = tpu.vector_load_idx %arg5[%broadcast_in_dim3A_83] : memref<12288xf32, #tpu.memory_space<vmem>>[vector<16xi32>], vector<16xf32>,
      %add3A_84 = arith.constant 4096 : i32
      %add3A_85 = vector.broadcast %add3A_84 : i32 to vector<16xi32>
      %add3A_86 = arith.addi %broadcast_in_dim3A_83, %add3A_85 : vector<16xi32>
      %gather3A_87 = tpu.vector_load_idx %arg5[%add3A_86] : memref<12288xf32, #tpu.memory_space<vmem>>[vector<16xi32>], vector<16xf32>,
      %add3A_88 = arith.constant 8192 : i32
      %add3A_89 = vector.broadcast %add3A_88 : i32 to vector<16xi32>
      %add3A_90 = arith.addi %broadcast_in_dim3A_83, %add3A_89 : vector<16xi32>
      %gather3A_91 = tpu.vector_load_idx %arg5[%add3A_90] : memref<12288xf32, #tpu.memory_space<vmem>>[vector<16xi32>], vector<16xf32>,
      %while3A = arith.constant 0 : i32
      %while3A_92 = arith.constant 0 : i32
      %while3A_93:2 = scf.while (%while3A_162 = %while3A, %while3A_163 = %while3A_92) : (i32, i32) -> (i32, i32) {
        %lt3A_164 = arith.constant 16 : i32
        %lt3A_165 = arith.cmpi slt, %while3A_162, %lt3A_164 : i32
        %lt3A_166 = arith.constant 64 : i32
        %lt3A_167 = arith.cmpi slt, %while3A_163, %lt3A_166 : i32
        %and3A_168 = arith.andi %lt3A_165, %lt3A_167 : i1
        scf.condition(%and3A_168) %while3A_162, %while3A_163 : i32, i32
      } do {
      ^bb0(%while3A_162: i32, %while3A_163: i32):
        %mul3A_164 = arith.constant 64 : i32
        %mul3A_165 = arith.muli %while3A_163, %mul3A_164 : i32
        %add3A_166 = arith.constant 0 : i32
        %add3A_167 = arith.addi %mul3A_165, %add3A_166 : i32
        %get3A_168 = arith.index_cast %add3A_167 : i32 to index
        %get3A_169 = tpu.vector_load %arg5[%get3A_168] {strides = array<i32>} : memref<12288xf32, #tpu.memory_space<vmem>>, vector<16xf32>,
        %sub3A_170 = arith.subf %get3A_169, %gather3A : vector<16xf32>
        %add3A_171 = arith.constant 4096 : i32
        %add3A_172 = arith.addi %add3A_171, %add3A_167 : i32
        %get3A_173 = arith.index_cast %add3A_172 : i32 to index
        %get3A_174 = tpu.vector_load %arg5[%get3A_173] {strides = array<i32>} : memref<12288xf32, #tpu.memory_space<vmem>>, vector<16xf32>,
        %sub3A_175 = arith.subf %get3A_174, %gather3A_87 : vector<16xf32>
        %add3A_176 = arith.constant 8192 : i32
        %add3A_177 = arith.addi %add3A_176, %add3A_167 : i32
        %get3A_178 = arith.index_cast %add3A_177 : i32 to index
        %get3A_179 = tpu.vector_load %arg5[%get3A_178] {strides = array<i32>} : memref<12288xf32, #tpu.memory_space<vmem>>, vector<16xf32>,
        %sub3A_180 = arith.subf %get3A_179, %gather3A_91 : vector<16xf32>
        %mul3A_181 = arith.mulf %sub3A_170, %sub3A_170 : vector<16xf32>
        %mul3A_182 = arith.mulf %sub3A_175, %sub3A_175 : vector<16xf32>
        %add3A_183 = arith.addf %mul3A_181, %mul3A_182 : vector<16xf32>
        %mul3A_184 = arith.mulf %sub3A_180, %sub3A_180 : vector<16xf32>
        %add3A_185 = arith.addf %add3A_183, %mul3A_184 : vector<16xf32>
        %lt3A_186 = arith.constant 6.250000e-02 : f32
        %lt3A_187 = vector.broadcast %lt3A_186 : f32 to vector<16xf32>
        %lt3A_188 = arith.cmpf olt, %add3A_185, %lt3A_187 : vector<16xf32>
        %add3A_189 = vector.broadcast %add3A_167 : i32 to vector<16xi32>
        %add3A_190 = arith.addi %add3A_189, %iota3A : vector<16xi32>
        %swap3A_191 = arith.index_cast %while3A_162 : i32 to index
        %swap3A_192 = tpu.vector_load %arg7[%swap3A_191] masked %lt3A_188 {strides = array<i32>} : memref<128xi32, #tpu.memory_space<vmem>>, vector<16xi32>, vector<16xi1>
        tpu.vector_store %arg7[%swap3A_191], %add3A_190 masked %lt3A_188 {strides = array<i32>} : memref<128xi32, #tpu.memory_space<vmem>>, vector<16xi32>, vector<16xi1>
        %all_reduce_population_count3A = tpu.all_reduce %lt3A_188 {dim = 0 : i64, kind = #tpu.reduction_kind<sum>} : vector<16xi1> -> vector<16xi32>
        %slice3A = vector.extract_strided_slice %all_reduce_population_count3A {offsets = [0], sizes = [1], strides = [1]} : vector<16xi32> to vector<1xi32>
        %squeeze3A = vector.extract %slice3A[0] : i32 from vector<1xi32>
        %add3A_193 = arith.addi %while3A_162, %squeeze3A : i32
        %add3A_194 = arith.constant 16 : i32
        %add3A_195 = arith.addi %mul3A_165, %add3A_194 : i32
        %get3A_196 = arith.index_cast %add3A_195 : i32 to index
        %get3A_197 = tpu.vector_load %arg5[%get3A_196] {strides = array<i32>} : memref<12288xf32, #tpu.memory_space<vmem>>, vector<16xf32>,
        %sub3A_198 = arith.subf %get3A_197, %gather3A : vector<16xf32>
        %add3A_199 = arith.constant 4096 : i32
        %add3A_200 = arith.addi %add3A_199, %add3A_195 : i32
        %get3A_201 = arith.index_cast %add3A_200 : i32 to index
        %get3A_202 = tpu.vector_load %arg5[%get3A_201] {strides = array<i32>} : memref<12288xf32, #tpu.memory_space<vmem>>, vector<16xf32>,
        %sub3A_203 = arith.subf %get3A_202, %gather3A_87 : vector<16xf32>
        %add3A_204 = arith.constant 8192 : i32
        %add3A_205 = arith.addi %add3A_204, %add3A_195 : i32
        %get3A_206 = arith.index_cast %add3A_205 : i32 to index
        %get3A_207 = tpu.vector_load %arg5[%get3A_206] {strides = array<i32>} : memref<12288xf32, #tpu.memory_space<vmem>>, vector<16xf32>,
        %sub3A_208 = arith.subf %get3A_207, %gather3A_91 : vector<16xf32>
        %mul3A_209 = arith.mulf %sub3A_198, %sub3A_198 : vector<16xf32>
        %mul3A_210 = arith.mulf %sub3A_203, %sub3A_203 : vector<16xf32>
        %add3A_211 = arith.addf %mul3A_209, %mul3A_210 : vector<16xf32>
        %mul3A_212 = arith.mulf %sub3A_208, %sub3A_208 : vector<16xf32>
        %add3A_213 = arith.addf %add3A_211, %mul3A_212 : vector<16xf32>
        %lt3A_214 = arith.constant 6.250000e-02 : f32
        %lt3A_215 = vector.broadcast %lt3A_214 : f32 to vector<16xf32>
        %lt3A_216 = arith.cmpf olt, %add3A_213, %lt3A_215 : vector<16xf32>
        %add3A_217 = vector.broadcast %add3A_195 : i32 to vector<16xi32>
        %add3A_218 = arith.addi %add3A_217, %iota3A : vector<16xi32>
        %swap3A_219 = arith.index_cast %add3A_193 : i32 to index
        %swap3A_220 = tpu.vector_load %arg7[%swap3A_219] masked %lt3A_216 {strides = array<i32>} : memref<128xi32, #tpu.memory_space<vmem>>, vector<16xi32>, vector<16xi1>
        tpu.vector_store %arg7[%swap3A_219], %add3A_218 masked %lt3A_216 {strides = array<i32>} : memref<128xi32, #tpu.memory_space<vmem>>, vector<16xi32>, vector<16xi1>
        %all_reduce_population_count3A_221 = tpu.all_reduce %lt3A_216 {dim = 0 : i64, kind = #tpu.reduction_kind<sum>} : vector<16xi1> -> vector<16xi32>
        %slice3A_222 = vector.extract_strided_slice %all_reduce_population_count3A_221 {offsets = [0], sizes = [1], strides = [1]} : vector<16xi32> to vector<1xi32>
        %squeeze3A_223 = vector.extract %slice3A_222[0] : i32 from vector<1xi32>
        %add3A_224 = arith.addi %add3A_193, %squeeze3A_223 : i32
        %add3A_225 = arith.constant 32 : i32
        %add3A_226 = arith.addi %mul3A_165, %add3A_225 : i32
        %get3A_227 = arith.index_cast %add3A_226 : i32 to index
        %get3A_228 = tpu.vector_load %arg5[%get3A_227] {strides = array<i32>} : memref<12288xf32, #tpu.memory_space<vmem>>, vector<16xf32>,
        %sub3A_229 = arith.subf %get3A_228, %gather3A : vector<16xf32>
        %add3A_230 = arith.constant 4096 : i32
        %add3A_231 = arith.addi %add3A_230, %add3A_226 : i32
        %get3A_232 = arith.index_cast %add3A_231 : i32 to index
        %get3A_233 = tpu.vector_load %arg5[%get3A_232] {strides = array<i32>} : memref<12288xf32, #tpu.memory_space<vmem>>, vector<16xf32>,
        %sub3A_234 = arith.subf %get3A_233, %gather3A_87 : vector<16xf32>
        %add3A_235 = arith.constant 8192 : i32
        %add3A_236 = arith.addi %add3A_235, %add3A_226 : i32
        %get3A_237 = arith.index_cast %add3A_236 : i32 to index
        %get3A_238 = tpu.vector_load %arg5[%get3A_237] {strides = array<i32>} : memref<12288xf32, #tpu.memory_space<vmem>>, vector<16xf32>,
        %sub3A_239 = arith.subf %get3A_238, %gather3A_91 : vector<16xf32>
        %mul3A_240 = arith.mulf %sub3A_229, %sub3A_229 : vector<16xf32>
        %mul3A_241 = arith.mulf %sub3A_234, %sub3A_234 : vector<16xf32>
        %add3A_242 = arith.addf %mul3A_240, %mul3A_241 : vector<16xf32>
        %mul3A_243 = arith.mulf %sub3A_239, %sub3A_239 : vector<16xf32>
        %add3A_244 = arith.addf %add3A_242, %mul3A_243 : vector<16xf32>
        %lt3A_245 = arith.constant 6.250000e-02 : f32
        %lt3A_246 = vector.broadcast %lt3A_245 : f32 to vector<16xf32>
        %lt3A_247 = arith.cmpf olt, %add3A_244, %lt3A_246 : vector<16xf32>
        %add3A_248 = vector.broadcast %add3A_226 : i32 to vector<16xi32>
        %add3A_249 = arith.addi %add3A_248, %iota3A : vector<16xi32>
        %swap3A_250 = arith.index_cast %add3A_224 : i32 to index
        %swap3A_251 = tpu.vector_load %arg7[%swap3A_250] masked %lt3A_247 {strides = array<i32>} : memref<128xi32, #tpu.memory_space<vmem>>, vector<16xi32>, vector<16xi1>
        tpu.vector_store %arg7[%swap3A_250], %add3A_249 masked %lt3A_247 {strides = array<i32>} : memref<128xi32, #tpu.memory_space<vmem>>, vector<16xi32>, vector<16xi1>
        %all_reduce_population_count3A_252 = tpu.all_reduce %lt3A_247 {dim = 0 : i64, kind = #tpu.reduction_kind<sum>} : vector<16xi1> -> vector<16xi32>
        %slice3A_253 = vector.extract_strided_slice %all_reduce_population_count3A_252 {offsets = [0], sizes = [1], strides = [1]} : vector<16xi32> to vector<1xi32>
        %squeeze3A_254 = vector.extract %slice3A_253[0] : i32 from vector<1xi32>
        %add3A_255 = arith.addi %add3A_224, %squeeze3A_254 : i32
        %add3A_256 = arith.constant 48 : i32
        %add3A_257 = arith.addi %mul3A_165, %add3A_256 : i32
        %get3A_258 = arith.index_cast %add3A_257 : i32 to index
        %get3A_259 = tpu.vector_load %arg5[%get3A_258] {strides = array<i32>} : memref<12288xf32, #tpu.memory_space<vmem>>, vector<16xf32>,
        %sub3A_260 = arith.subf %get3A_259, %gather3A : vector<16xf32>
        %add3A_261 = arith.constant 4096 : i32
        %add3A_262 = arith.addi %add3A_261, %add3A_257 : i32
        %get3A_263 = arith.index_cast %add3A_262 : i32 to index
        %get3A_264 = tpu.vector_load %arg5[%get3A_263] {strides = array<i32>} : memref<12288xf32, #tpu.memory_space<vmem>>, vector<16xf32>,
        %sub3A_265 = arith.subf %get3A_264, %gather3A_87 : vector<16xf32>
        %add3A_266 = arith.constant 8192 : i32
        %add3A_267 = arith.addi %add3A_266, %add3A_257 : i32
        %get3A_268 = arith.index_cast %add3A_267 : i32 to index
        %get3A_269 = tpu.vector_load %arg5[%get3A_268] {strides = array<i32>} : memref<12288xf32, #tpu.memory_space<vmem>>, vector<16xf32>,
        %sub3A_270 = arith.subf %get3A_269, %gather3A_91 : vector<16xf32>
        %mul3A_271 = arith.mulf %sub3A_260, %sub3A_260 : vector<16xf32>
        %mul3A_272 = arith.mulf %sub3A_265, %sub3A_265 : vector<16xf32>
        %add3A_273 = arith.addf %mul3A_271, %mul3A_272 : vector<16xf32>
        %mul3A_274 = arith.mulf %sub3A_270, %sub3A_270 : vector<16xf32>
        %add3A_275 = arith.addf %add3A_273, %mul3A_274 : vector<16xf32>
        %lt3A_276 = arith.constant 6.250000e-02 : f32
        %lt3A_277 = vector.broadcast %lt3A_276 : f32 to vector<16xf32>
        %lt3A_278 = arith.cmpf olt, %add3A_275, %lt3A_277 : vector<16xf32>
        %add3A_279 = vector.broadcast %add3A_257 : i32 to vector<16xi32>
        %add3A_280 = arith.addi %add3A_279, %iota3A : vector<16xi32>
        %swap3A_281 = arith.index_cast %add3A_255 : i32 to index
        %swap3A_282 = tpu.vector_load %arg7[%swap3A_281] masked %lt3A_278 {strides = array<i32>} : memref<128xi32, #tpu.memory_space<vmem>>, vector<16xi32>, vector<16xi1>
        tpu.vector_store %arg7[%swap3A_281], %add3A_280 masked %lt3A_278 {strides = array<i32>} : memref<128xi32, #tpu.memory_space<vmem>>, vector<16xi32>, vector<16xi1>
        %all_reduce_population_count3A_283 = tpu.all_reduce %lt3A_278 {dim = 0 : i64, kind = #tpu.reduction_kind<sum>} : vector<16xi1> -> vector<16xi32>
        %slice3A_284 = vector.extract_strided_slice %all_reduce_population_count3A_283 {offsets = [0], sizes = [1], strides = [1]} : vector<16xi32> to vector<1xi32>
        %squeeze3A_285 = vector.extract %slice3A_284[0] : i32 from vector<1xi32>
        %add3A_286 = arith.addi %add3A_255, %squeeze3A_285 : i32
        %add3A_287 = arith.constant 1 : i32
        %add3A_288 = arith.addi %while3A_163, %add3A_287 : i32
        scf.yield %add3A_286, %add3A_288 : i32, i32
      }
      %get3A = arith.constant 0 : index
      %get3A_94 = tpu.vector_load %arg7[%get3A] {strides = array<i32>} : memref<128xi32, #tpu.memory_space<vmem>>, vector<16xi32>,
      %broadcast_in_dim3A_95 = arith.constant 0 : i32
      %broadcast_in_dim3A_96 = vector.broadcast %broadcast_in_dim3A_95 : i32 to vector<16xi32>
      %gather3A_97 = tpu.vector_load_idx %arg7[%broadcast_in_dim3A_96] : memref<128xi32, #tpu.memory_space<vmem>>[vector<16xi32>], vector<16xi32>,
      %lt3A_98 = vector.broadcast %while3A_93#0 : i32 to vector<16xi32>
      %lt3A_99 = arith.cmpi slt, %iota3A, %lt3A_98 : vector<16xi32>
      %select_n3A_100 = arith.select %lt3A_99, %get3A_94, %gather3A_97 : vector<16xi1>, vector<16xi32>
      %gather3A_101 = tpu.vector_load_idx %arg6[%select_n3A_100] : memref<12288xf32, #tpu.memory_space<vmem>>[vector<16xi32>], vector<16xf32>,
      %gather3A_102 = tpu.vector_load_idx %arg6[%broadcast_in_dim3A_83] : memref<12288xf32, #tpu.memory_space<vmem>>[vector<16xi32>], vector<16xf32>,
      %sub3A_103 = arith.subf %gather3A_101, %gather3A_102 : vector<16xf32>
      %add3A_104 = arith.constant 4096 : i32
      %add3A_105 = vector.broadcast %add3A_104 : i32 to vector<16xi32>
      %add3A_106 = arith.addi %select_n3A_100, %add3A_105 : vector<16xi32>
      %gather3A_107 = tpu.vector_load_idx %arg6[%add3A_106] : memref<12288xf32, #tpu.memory_space<vmem>>[vector<16xi32>], vector<16xf32>,
      %add3A_108 = arith.constant 4096 : i32
      %add3A_109 = vector.broadcast %add3A_108 : i32 to vector<16xi32>
      %add3A_110 = arith.addi %broadcast_in_dim3A_83, %add3A_109 : vector<16xi32>
      %gather3A_111 = tpu.vector_load_idx %arg6[%add3A_110] : memref<12288xf32, #tpu.memory_space<vmem>>[vector<16xi32>], vector<16xf32>,
      %sub3A_112 = arith.subf %gather3A_107, %gather3A_111 : vector<16xf32>
      %add3A_113 = arith.constant 8192 : i32
      %add3A_114 = vector.broadcast %add3A_113 : i32 to vector<16xi32>
      %add3A_115 = arith.addi %select_n3A_100, %add3A_114 : vector<16xi32>
      %gather3A_116 = tpu.vector_load_idx %arg6[%add3A_115] : memref<12288xf32, #tpu.memory_space<vmem>>[vector<16xi32>], vector<16xf32>,
      %add3A_117 = arith.constant 8192 : i32
      %add3A_118 = vector.broadcast %add3A_117 : i32 to vector<16xi32>
      %add3A_119 = arith.addi %broadcast_in_dim3A_83, %add3A_118 : vector<16xi32>
      %gather3A_120 = tpu.vector_load_idx %arg6[%add3A_119] : memref<12288xf32, #tpu.memory_space<vmem>>[vector<16xi32>], vector<16xf32>,
      %sub3A_121 = arith.subf %gather3A_116, %gather3A_120 : vector<16xf32>
      %mul3A_122 = arith.mulf %sub3A_103, %sub3A_103 : vector<16xf32>
      %mul3A_123 = arith.mulf %sub3A_112, %sub3A_112 : vector<16xf32>
      %add3A_124 = arith.addf %mul3A_122, %mul3A_123 : vector<16xf32>
      %mul3A_125 = arith.mulf %sub3A_121, %sub3A_121 : vector<16xf32>
      %add3A_126 = arith.addf %add3A_124, %mul3A_125 : vector<16xf32>
      %bitcast_convert_type3A = tpu.bitcast %add3A_126 : vector<16xf32> -> vector<16xi32>
      %shift_right_logical3A = arith.constant 1 : i32
      %shift_right_logical3A_127 = vector.broadcast %shift_right_logical3A : i32 to vector<16xi32>
      %shift_right_logical3A_128 = arith.shrui %bitcast_convert_type3A, %shift_right_logical3A_127 : vector<16xi32>
      %sub3A_129 = arith.constant 1597463007 : i32
      %sub3A_130 = vector.broadcast %sub3A_129 : i32 to vector<16xi32>
      %sub3A_131 = arith.subi %sub3A_130, %shift_right_logical3A_128 : vector<16xi32>
      %bitcast_convert_type3A_132 = tpu.bitcast %sub3A_131 : vector<16xi32> -> vector<16xf32>
      %mul3A_133 = arith.mulf %add3A_126, %bitcast_convert_type3A_132 : vector<16xf32>
      %mul3A_134 = arith.constant 5.000000e-01 : f32
      %mul3A_135 = vector.broadcast %mul3A_134 : f32 to vector<16xf32>
      %mul3A_136 = arith.mulf %mul3A_135, %mul3A_133 : vector<16xf32>
      %mul3A_137 = arith.mulf %mul3A_136, %bitcast_convert_type3A_132 : vector<16xf32>
      %sub3A_138 = arith.constant 1.500000e+00 : f32
      %sub3A_139 = vector.broadcast %sub3A_138 : f32 to vector<16xf32>
      %sub3A_140 = arith.subf %sub3A_139, %mul3A_137 : vector<16xf32>
      %mul3A_141 = arith.mulf %bitcast_convert_type3A_132, %sub3A_140 : vector<16xf32>
      %mul3A_142 = arith.mulf %add3A_126, %mul3A_141 : vector<16xf32>
      %mul3A_143 = arith.constant 5.000000e-01 : f32
      %mul3A_144 = vector.broadcast %mul3A_143 : f32 to vector<16xf32>
      %mul3A_145 = arith.mulf %mul3A_144, %mul3A_142 : vector<16xf32>
      %mul3A_146 = arith.mulf %mul3A_145, %mul3A_141 : vector<16xf32>
      %sub3A_147 = arith.constant 1.500000e+00 : f32
      %sub3A_148 = vector.broadcast %sub3A_147 : f32 to vector<16xf32>
      %sub3A_149 = arith.subf %sub3A_148, %mul3A_146 : vector<16xf32>
      %mul3A_150 = arith.mulf %mul3A_141, %sub3A_149 : vector<16xf32>
      %mul3A_151 = arith.mulf %add3A_126, %mul3A_150 : vector<16xf32>
      %mul3A_152 = arith.constant 5.000000e-01 : f32
      %mul3A_153 = vector.broadcast %mul3A_152 : f32 to vector<16xf32>
      %mul3A_154 = arith.mulf %mul3A_153, %mul3A_151 : vector<16xf32>
      %mul3A_155 = arith.mulf %mul3A_154, %mul3A_150 : vector<16xf32>
      %sub3A_156 = arith.constant 1.500000e+00 : f32
      %sub3A_157 = vector.broadcast %sub3A_156 : f32 to vector<16xf32>
      %sub3A_158 = arith.subf %sub3A_157, %mul3A_155 : vector<16xf32>
      %mul3A_159 = arith.mulf %mul3A_150, %sub3A_158 : vector<16xf32>
      %mul3A_160 = arith.mulf %add3A_126, %mul3A_159 : vector<16xf32>
      %add3A_161 = arith.addf %scan3A_81, %mul3A_160 : vector<16xf32>
      scf.yield %add3A_161 : vector<16xf32>
    }
    %scan3A_77 = arith.constant 256 : i32
    %swap3A_78 = arith.constant 0 : index
    %swap3A_79 = tpu.vector_load %arg8[%swap3A_78] {strides = array<i32>} : memref<16xf32, #tpu.memory_space<vmem>>, vector<16xf32>,
    tpu.vector_store %arg8[%swap3A_78], %scan3A_76 {strides = array<i32>} : memref<16xf32, #tpu.memory_space<vmem>>, vector<16xf32>,
    "tpu.region"() ({
      %run_scoped3A = tpu.sem_alloc : memref<!tpu.dma_semaphore, #tpu.memory_space<semaphore_mem>>
      %dma_start3A = arith.constant 0 : i32
      %dma_start3A_80 = tpu.memref_slice %arg4[%add3A, %dma_start3A] : memref<32x16xf32, #tpu.memory_space<hbm>> -> memref<1x16xf32, #tpu.memory_space<hbm>>
      %dma_start3A_81 = tpu.memref_squeeze %dma_start3A_80 : memref<1x16xf32, #tpu.memory_space<hbm>> -> memref<16xf32, #tpu.memory_space<hbm>>
      %dma_start3A_82 = arith.constant 0 : i32
      %dma_start3A_83 = tpu.memref_slice %arg4[%add3A, %dma_start3A_82] : memref<32x16xf32, #tpu.memory_space<hbm>> -> memref<1x16xf32, #tpu.memory_space<hbm>>
      %dma_start3A_84 = tpu.memref_squeeze %dma_start3A_83 : memref<1x16xf32, #tpu.memory_space<hbm>> -> memref<16xf32, #tpu.memory_space<hbm>>
      tpu.enqueue_dma source(%arg8 : memref<16xf32, #tpu.memory_space<vmem>>) target(%dma_start3A_84 : memref<16xf32, #tpu.memory_space<hbm>>) target_semaphore(%run_scoped3A : memref<!tpu.dma_semaphore, #tpu.memory_space<semaphore_mem>>)
      %dma_wait3A = arith.constant 0 : i32
      %dma_wait3A_85 = tpu.memref_slice %arg4[%add3A, %dma_wait3A] : memref<32x16xf32, #tpu.memory_space<hbm>> -> memref<1x16xf32, #tpu.memory_space<hbm>>
      %dma_wait3A_86 = tpu.memref_squeeze %dma_wait3A_85 : memref<1x16xf32, #tpu.memory_space<hbm>> -> memref<16xf32, #tpu.memory_space<hbm>>
      %dma_wait3A_87 = arith.constant 0 : i32
      %dma_wait3A_88 = tpu.memref_slice %arg4[%add3A, %dma_wait3A_87] : memref<32x16xf32, #tpu.memory_space<hbm>> -> memref<1x16xf32, #tpu.memory_space<hbm>>
      %dma_wait3A_89 = tpu.memref_squeeze %dma_wait3A_88 : memref<1x16xf32, #tpu.memory_space<hbm>> -> memref<16xf32, #tpu.memory_space<hbm>>
      tpu.wait_dma2 semaphore(%run_scoped3A : memref<!tpu.dma_semaphore, #tpu.memory_space<semaphore_mem>>) src(%arg8 : memref<16xf32, #tpu.memory_space<vmem>>) dst(%dma_wait3A_89 : memref<16xf32, #tpu.memory_space<hbm>>)
      tpu.yield
    }) : () -> ()
    return
  }
}

</mosaic_0001>

<sc_bundles>
// kernel: kernel.3.cloned.1.call-start
scs
__scs_entry_jumppad:
0x0: {  	(pc) =	sbr.rel $0x88, $3  }
0x1: {  	(tag) =	ssettag $0x0;
	lr =	simm.s32 $0x1  }
0x2: {  	[smem:$0x3F9F] =	sst lr;
	_ =	strace $0xD0000000  }
0x3: {  	_ = 	snop  }
0x4: {  	_ = 	snop  }
0x5: {  	_ = 	snop  }
0x6: {  	_ = 	snop  }
0x7: {  	_ = 	snop  }
__scs_overlays_trampoline_lowered:
0x8: {  	[smem:$0x3FAE] =	sst s0  }
0x9: {  	[smem:$0x3FAF] =	sst s1  }
0xa: {  	[smem:$0x3FB0] =	sst s2  }
0xb: {  	[smem:$0x3FB1] =	sst s3  }
0xc: {  	[smem:$0x3FB2] =	sst s4  }
0xd: {  	[smem:$0x3FB3] =	sst s5  }
0xe: {  	[smem:$0x3FB4] =	sst s6  }
0xf: {  	[smem:$0x3FB5] =	sst s7  }
0x10: {  	[smem:$0x3FB6] =	sst s8  }
0x11: {  	[smem:$0x3FB7] =	sst s9;
	s0 =	simm.s32 @!p0 $0x0  }
0x12: {  	s1 =	sld [smem:$0x3F9D];
	s0 =	simm.s32 @p0 $0x1  }
0x13: {  	[smem:$0x3FB8] =	sst s0;
	s0 =	simm.s32 @!p1 $0x0  }
0x14: {  	s2 =	sld [smem:$0x3F9C];
	s0 =	simm.s32 @p1 $0x1  }
0x15: {  	[smem:$0x3FB9] =	sst s0;
	s0 =	simm.s32 @!p2 $0x0  }
0x16: {  	s3 =	sld [smem:$0x3FDB];
	s0 =	simm.s32 @p2 $0x1  }
0x17: {  	s4 =	simm.s32 $0x1BF5;
	[smem:$0x3FBB] =	sst s0  }
0x18: {  	s0 =	sld [smem:$0x3F9E];
	_ =	swait.ge [sflag:s4], $0x0  }
0x19: {  	s7 =	sld [smem:$0x3F9F]  }
0x1a: {  	s8 =	sadd.s32 $0xFFFFE003, lr  }
0x1b: {  	s9 =	sadd.s32 $0xFFFFFEF7, lr;
	s5 =	simm.s32 $0xFFFFFFFF;
	p2 =	slt.u32 s8, $0xFFFFF086  }
0x1c: {  	p1 =	slt.u32 s9, $0xF7A;
	s5 =	simm.s32 @!p2 $0x0  }
0x1d: {  	s5 =	simm.s32 @p1 $0x1;
	p0 =	seq.s32 s7, s2  }
0x1e: {  	s7 =	smul.u32 @!p0 $0xF7A, s2;
	p2 =	seq.s32 @!p0 s5, $0x0  }
0x1f: {  	s9 =	smul.u32 $0xF7A, s1;
	s8 =	simm.s32 @!p0 $0x1BF5;
	p2 =	por !p2, p0  }
0x20: {  	[sflag:s8] =	ssyncset.s32 @!p0 $0xFFFFF086;
	s6 =	sadd.s32 @!p0 s3, s7;
	s7 =	simm.s32 @!p0 $0x108  }
0x21: {  	s3 =	sadd.s32 s3, s9;
	s6 =	sadd.s32 @!p0 $0x88, s6;
	s7 =	simm.s32 @p2 $0x1082  }
0x22: {  	[simem:s7], [sflag:s8] =	dma.local @!p0 [hbm:s6], $0xF7A  }
0x23: {  	s9 =	sor.u32 $0xD0000000, s2;
	s6 =	simm.s32 $0x108;
	_ =	swait.ge @!p0 [sflag:s8], $0x0  }
0x24: {  	s3 =	sadd.s32 $0x88, s3;
	s6 =	simm.s32 @!p1 $0x1082;
	[sflag:s4] =	ssyncset.s32 $0xFFFFF086  }
0x25: {  	[simem:s6], [sflag:s4] =	dma.local [hbm:s3], $0xF7A  }
0x26: {  	[smem:$0x3F9F] =	sst s1;
	(tag) =	ssettag s2;
	_ =	strace s9  }
0x27: {  	s1 =	sld [smem:$0x3FAF]  }
0x28: {  	s2 =	sld [smem:$0x3FB0]  }
0x29: {  	s4 =	sld [smem:$0x3FB2]  }
0x2a: {  	p0 =	seq.s32 s5, $0x0;
	s5 =	sld [smem:$0x3FB3]  }
0x2b: {  	s6 =	sld [smem:$0x3FB4]  }
0x2c: {  	s7 =	sld [smem:$0x3FB5]  }
0x2d: {  	s3 =	simm.s32 $0x108;
	s8 =	sld [smem:$0x3FB6]  }
0x2e: {  	s3 =	simm.s32 @!p0 $0x1082;
	s9 =	sld [smem:$0x3FB7]  }
0x2f: {  	lr =	sadd.s32 s0, s3;
	s0 =	sld [smem:$0x3FAE]  }
0x30: {  	s3 =	sld [smem:$0x3FB1]  }
0x31: {  	[smem:$0x3FBA] =	sst s10  }
0x32: {  	s10 =	sld [smem:$0x3FB8];
	_ =	sdelay $0x3  }
0x33: {  	p0 =	seq.s32 s10, $0x1;
	s10 =	sld [smem:$0x3FBA];
	_ =	sdelay $0x3  }
0x34: {  	[smem:$0x3FBA] =	sst s10  }
0x35: {  	s10 =	sld [smem:$0x3FB9];
	_ =	sdelay $0x3  }
0x36: {  	p1 =	seq.s32 s10, $0x1;
	s10 =	sld [smem:$0x3FBA];
	_ =	sdelay $0x3  }
0x37: {  	[smem:$0x3FBA] =	sst s10  }
0x38: {  	s10 =	sld [smem:$0x3FBB]  }
0x39: {  	_ = 	snop;
	(pc) =	sbr.ind lr, $3  }
0x3a: {  	_ = 	snop  }
0x3b: {  	_ = 	snop  }
0x3c: {  	p2 =	seq.s32 s10, $0x1;
	s10 =	sld [smem:$0x3FBA]  }
0x3d: {  	_ =	shalt  }
0x3e: {  	_ =	shalt  }
0x3f: {  	_ =	shalt  }
0x40: {  	_ =	shalt  }
0x41: {  	_ =	shalt  }
0x42: {  	_ =	shalt  }
0x43: {  	_ =	shalt  }
0x44: {  	_ =	shalt  }
0x45: {  	_ =	shalt  }
0x46: {  	_ =	shalt  }
0x47: {  	_ =	shalt  }
0x48: {  	_ =	shalt  }
0x49: {  	_ =	shalt  }
0x4a: {  	_ =	shalt  }
0x4b: {  	_ =	shalt  }
0x4c: {  	_ =	shalt  }
0x4d: {  	_ =	shalt  }
0x4e: {  	_ =	shalt  }
0x4f: {  	_ =	shalt  }
0x50: {  	_ =	shalt  }
0x51: {  	_ =	shalt  }
0x52: {  	_ =	shalt  }
0x53: {  	_ =	shalt  }
0x54: {  	_ =	shalt  }
0x55: {  	_ =	shalt  }
0x56: {  	_ =	shalt  }
0x57: {  	_ =	shalt  }
0x58: {  	_ =	shalt  }
0x59: {  	_ =	shalt  }
0x5a: {  	_ =	shalt  }
0x5b: {  	_ =	shalt  }
0x5c: {  	_ =	shalt  }
0x5d: {  	_ =	shalt  }
0x5e: {  	_ =	shalt  }
0x5f: {  	_ =	shalt  }
0x60: {  	_ =	shalt  }
0x61: {  	_ =	shalt  }
0x62: {  	_ =	shalt  }
0x63: {  	_ =	shalt  }
0x64: {  	_ =	shalt  }
0x65: {  	_ =	shalt  }
0x66: {  	_ =	shalt  }
0x67: {  	_ =	shalt  }
0x68: {  	_ =	shalt  }
0x69: {  	_ =	shalt  }
0x6a: {  	_ =	shalt  }
0x6b: {  	_ =	shalt  }
0x6c: {  	_ =	shalt  }
0x6d: {  	_ =	shalt  }
0x6e: {  	_ =	shalt  }
0x6f: {  	_ =	shalt  }
0x70: {  	_ =	shalt  }
0x71: {  	_ =	shalt  }
0x72: {  	_ =	shalt  }
0x73: {  	_ =	shalt  }
0x74: {  	_ =	shalt  }
0x75: {  	_ =	shalt  }
0x76: {  	_ =	shalt  }
0x77: {  	_ =	shalt  }
0x78: {  	_ =	shalt  }
0x79: {  	_ =	shalt  }
0x7a: {  	_ =	shalt  }
0x7b: {  	_ =	shalt  }
0x7c: {  	_ =	shalt  }
0x7d: {  	_ =	shalt  }
0x7e: {  	_ =	shalt  }
0x7f: {  	_ =	shalt  }
0x80: {  	_ =	shalt  }
0x81: {  	_ =	shalt  }
0x82: {  	_ =	shalt  }
0x83: {  	_ =	shalt  }
0x84: {  	_ =	shalt  }
0x85: {  	_ =	shalt  }
0x86: {  	_ =	shalt  }
0x87: {  	_ =	shalt  }
.Lfunc_end0:
.L_simem_size_0:
called_computation_lowered:
.L_overlay_start_0:
0x88: {  	s2 =	sld [smem:$0x3FD9]  }
0x89: {  	s3 =	sld [smem:$0x3FFE];
	_ =	sdelay $0x1  }
0x8a: {  	s1 =	srdreg.scid  }
0x8b: {  	s0 =	sand.u32 $0x1, s1  }
0x8c: {  	s16 =	sshll.u32 s0, $0xA;
	s2 =	sadd.s32 s3, s2  }
0x8d: {  	s2 =	sadd.s32 s2, s16  }
0x8e: {  	[smem:$0x3FC6] =	sst s2  }
0x8f: {  	_ = 	snop  }
0x90: {  	(tm) =	ssettm $0x1  }
0x91: {  	s17 =	sld [smem:$0x3FFB];
	_ =	sdelay $0x3  }
0x92: {  	_ =	strace s17  }
0x93: {  	s2 =	sld [smem:$0x3FFC];
	_ =	sdelay $0x3  }
0x94: {  	_ =	strace s2  }
0x95: {  	s2 =	sld [smem:$0x3FFD];
	_ =	sdelay $0x3  }
0x96: {  	_ =	strace s2  }
0x97: {  	_ =	strace $0x8FFFFFFF  }
0x98: {  	s18 =	sld [smem:$0x3FDB];
	_ =	sdelay $0x1  }
0x99: {  	s19 =	simm.s32 $_scs_section_size  }
0x9a: {  	s4 =	simm.s32 $_size__tile_overlayer_lowered;
	s5 =	simm.s32 $_tile_overlayer_lowered  }
0x9b: {  	s22 =	simm.s32 $0x1BFF;
	s21 =	sshll.u32 s5, $0x1;
	s2 =	sadd.s32 s19, s18  }
0x9c: {  	s6 =	simm.s32 $0x0;
	s20 =	sshll.u32 s4, $0x1;
	s4 =	sadd.s32 s21, s2  }
0x9d: {  	[timem:s6], [sflag:s22] =	dma.local [hbm:s4], s20  }
0x9e: {  	_ =	swait.ge [sflag:s22], s20  }
0x9f: {  	s3 =	ssub.s32 $0x0, s20;
	[sflag:s22] =	ssyncset.done $0x0  }
0xa0: {  	[sflag:s22] =	ssyncadd.s32 s3;
	_ =	sdelay $0x1  }
0xa1: {  	s23 =	simm.s32 $0x1B8B  }
0xa2: {  	_ =	swait.ge [sflag:s23], $0x1  }
0xa3: {  	[sflag:s23] =	ssyncset.done $0x0  }
0xa4: {  	s25 =	simm.s32 $0x1B8E;
	s24 =	sld [smem:$0x3FFE];
	[sflag:s23] =	ssyncadd.s32 $0xFFFFFFFF  }
0xa5: {  	s26 =	simm.s32 $execute0_lowered;
	[smem:$0x3FD2] =	sst s25  }
0xa6: {  	s4 =	sshll.u32 s26, $0x1;
	_ =	strace $0x80000046;
	[dreg:$0x1] =	wrdreg $0xFFFFFFFF  }
0xa7: {  	s28 =	simm.s32 $_size_execute0_lowered;
	s2 =	sadd.s32 s2, s4;
	[dreg:$0x0] =	wrdreg $0x0  }
0xa8: {  	s4 =	sshll.u32 s28, $0x1;
	[dreg:$0x2] =	wrdreg s2  }
0xa9: {  	[dreg:$0x3] =	wrdreg s4  }
0xaa: {  	[dreg:$0x4] =	wrdreg $0xC0  }
0xab: {  	_ =	task [dreg:s6], $0x5FFFF  }
0xac: {  	[dreg:$0x1] =	wrdreg $0xFFFFFFFF  }
0xad: {  	[dreg:$0x0] =	wrdreg $0x60  }
0xae: {  	[dreg:$0x2] =	wrdreg s24  }
0xaf: {  	[dreg:$0x3] =	wrdreg $0x9  }
0xb0: {  	_ =	task.clear_ibuf [dreg:s6], $0x4FFFF;
	_ =	strace $0x90000046  }
0xb1: {  	s29 =	simm.s32 $0x9;
	_ =	strace $0x80000048  }
0xb2: {  	_ =	swait.ge [sflag:s29], $0x1  }
0xb3: {  	[sflag:s29] =	ssyncadd.s32 $0xFFFFFFFF  }
0xb4: {  	_ =	strace $0x90000048  }
0xb5: {  	_ =	sfence  }
0xb6: {  	s30 =	sld [smem:$0x0];
	_ =	sdelay $0x2  }
0xb7: {  	s31 =	sshll.u32 s1, $0xD;
	s1 =	sshrl.u32 s1, $0x2  }
0xb8: {  	s3 =	sand.u32 $0x4000, s31;
	s1 =	sadd.s32 s1, s30  }
0xb9: {  	s0 =	sor.u32 s3, s0;
	s1 =	sshll.u32 s1, $0x11  }
0xba: {  	s0 =	sor.u32 s1, s0  }
0xbb: {  	s0 =	sadd.s32 $0x8F2B, s0  }
0xbc: {  	[sflag:s0] =	ssyncadd.remote.s32 $0x1  }
0xbd: {  	_ =	sfence.sel $0xFFFF  }
0xbe: {  	[dreg:$0x0] =	wrdreg $0xFFFFFFFF;
	(pc) =	sbr.abs _section_cstart, $3  }
0xbf: {  	[dreg:$0x1] =	wrdreg $0xFFFFFFFF  }
0xc0: {  	_ =	task.clear_ibuf [dreg:s6], $0x2FFFF;
	_ =	strace $0x9FFFFFFF  }
0xc1: {  	(tm) =	ssettm $0x7FFFFFFF  }
tec
execute0_lowered:
.L_overlay_start_1:
0x0: {  	(tag) =	ssettag $0x1  }
0x1: {  	s3 =	rddreg [dreg:$0x0]  }
0x2: {  	s0 =	rddreg [dreg:$0x1]  }
0x3: {  	s2 =	simm.s32 $0x0;
	s1 =	stileid.u32;
	s5 =	srdreg.scid  }
0x4: {  	s9 =	simm.s32 $0x3000;
	s10 =	simm.s32 $0x6000;
	s11 =	simm.s32 $0x6080  }
0x5: {  	s12 =	simm.s32 $0x0;
	[smem:$0x7FF] =	sst s2;
	s4 =	sshrl.u32 s1, $0x3  }
0x6: {  	s5 =	sand.u32 $0x1, s5;
	s6 =	sshll.u32 s1, $0x1;
	s4 =	smul.u32 $0x600, s4  }
0x7: {  	_ =	strace $0x80000047;
	s31 =	sor.u32 s5, s6;
	s5 =	ssub.s32 $0x2, s5  }
0x8: {  	s6 =	sshll.u32 s31, $0x4;
	s8 =	sshrl.u32 s5, $0x1;
	s7 =	sadd.s32 s4, s3  }
0x9: {  	s4 =	sshll.u32 s31, $0x8;
	s6 =	sadd.s32 s6, s3;
	s8 =	ssub.s32 s5, s8  }
0xa: {  	s3 =	sand.u32 $0xF00, s4;
	s4 =	sadd.s32 $0x200, s7;
	s5 =	sadd.s32 $0xE00, s7  }
0xb: {  	v0 =	vimm.s32 $0x0;
	v1 =	vlaneseq.u32;
	s6 =	sadd.s32 $0x1A00, s6;
	s7 =	smax.u32 s8, $0x1;
	s8 =	simm.s32 $0x1  }
.LBB2_1:
0xc: {  	[tilespmem:s2], [sflag:$0x1] =	stream.linear.gather [hbm4b:s4+s2], $0x3000, $0x38;
	[tilespmem:$0x6100] =	vst v63  }
0xd: {  	_ =	swait.ge [sflag:s8], $0x3000  }
0xe: {  	[sflag:s8] =	ssyncset.done $0x0  }
0xf: {  	[sflag:s8] =	ssyncadd.s32 $0xFFFFD000  }
0x10: {  	[tilespmem:s9], [sflag:$0x1] =	stream.linear.gather [hbm4b:s5+s2], $0x3000, $0x38;
	[tilespmem:$0x6100] =	vst v63  }
0x11: {  	_ =	swait.ge [sflag:s8], $0x3000  }
0x12: {  	[sflag:s8] =	ssyncset.done $0x0  }
0x13: {  	[sflag:s8] =	ssyncadd.s32 $0xFFFFD000  }
0x14: {  	[tilespmem:$0x6000] =	vst v0  }
0x15: {  	[tilespmem:$0x6010] =	vst v0  }
0x16: {  	[tilespmem:$0x6020] =	vst v0  }
0x17: {  	[tilespmem:$0x6030] =	vst v0  }
0x18: {  	[tilespmem:$0x6040] =	vst v0  }
0x19: {  	[tilespmem:$0x6050] =	vst v0  }
0x1a: {  	[tilespmem:$0x6060] =	vst v0  }
0x1b: {  	v2 =	vimm.f32 $0.0e+00;
	s13 =	simm.s32 $0x0;
	[tilespmem:$0x6070] =	vst v0  }
.LBB2_2:
0x1c: {  	s14 =	sor.u32 s3, s13  }
0x1d: {  	v5 =	vmov s14  }
0x1e: {  	v4 =	vor.u32 $0x1000, v5  }
0x1f: {  	v3 =	vor.u32 $0x2000, v5;
	_ =	sdelay $0x1  }
0x20: {  	s16 =	simm.s32 $0x0  }
0x21: {  	v6 =	vld.idx.msk [tilespmem:v5+s16+$0x0], $0xffff  }
0x22: {  	v7 =	vld.idx.msk [tilespmem:v4+s16+$0x0], $0xffff  }
0x23: {  	s15 =	simm.s32 $0x30;
	s17 =	simm.s32 $0x0;
	s14 =	simm.s32 $0x1020;
	v8 =	vld.idx.msk [tilespmem:v3+s16+$0x0], $0xffff  }
.LBB2_3:
0x24: {  	s18 =	sadd.s32 $0xFFFFFFD0, s15  }
0x25: {  	v9 =	vld [tilespmem:s14+$0xFFFFEFE0];
	s19 =	sand.u32 $0xFC0, s18  }
0x26: {  	v10 =	vld [tilespmem:s19+$0x1000];
	_ =	sdelay $0x1  }
0x27: {  	v11 =	vld [tilespmem:s19+$0x2000];
	_ =	sdelay $0x2  }
0x28: {  	v9 =	vsub.f32 v9, v6;
	v10 =	vsub.f32 v10, v7;
	_ =	sdelay $0x1  }
0x29: {  	v11 =	vsub.f32 v11, v8;
	v9 =	vmul.f32 v9, v9;
	v10 =	vmul.f32 v10, v10;
	_ =	sdelay $0x1  }
0x2a: {  	v9 =	vadd.f32 v10, v9;
	v10 =	vmul.f32 v11, v11;
	_ =	sdelay $0x1  }
0x2b: {  	v9 =	vadd.f32 v10, v9;
	_ =	sdelay $0x1  }
0x2c: {  	vm0 =	vlt.f32 v9, $6.250000000e-02;
	v9 =	vor.u32 s18, v1  }
0x2d: {  	[tilespmem:s17+$0x6000] =	vst.msk vm0, v9;
	v9 =	vmpcnt.ones.xlane vm0  }
0x2e: {  	v10 =	vld [tilespmem:s14+$0xFFFFEFF0]  }
0x2f: {  	(v2sf) =	vpush v9, $0x0;
	v9 =	vld [tilespmem:s14+$0xFFFFFFF0];
	_ =	sdelay $0x1  }
0x30: {  	v11 =	vld [tilespmem:s14+$0xFF0];
	_ =	sdelay $0x2  }
0x31: {  	v10 =	vsub.f32 v10, v6;
	v9 =	vsub.f32 v9, v7;
	_ =	sdelay $0x1  }
0x32: {  	v11 =	vsub.f32 v11, v8;
	v10 =	vmul.f32 v10, v10;
	v9 =	vmul.f32 v9, v9;
	_ =	sdelay $0x1  }
0x33: {  	v9 =	vadd.f32 v9, v10;
	v10 =	vmul.f32 v11, v11;
	_ =	sdelay $0x1  }
0x34: {  	v9 =	vadd.f32 v10, v9;
	_ =	sdelay $0x1  }
0x35: {  	vm13 =	vlt.f32 v9, $6.250000000e-02  }
0x36: {  	v9 =	vmpcnt.ones.xlane vm13  }
0x37: {  	s25 =	sadd.s32 $0xFFFFFFE0, s15;
	s24 =	spop (v2sf)  }
0x38: {  	v10 =	vor.u32 s25, v1;
	s26 =	sadd.s32 s17, s24;
	(v2sf) =	vpush v9, $0x0  }
0x39: {  	[tilespmem:s26+$0x6000] =	vst.msk vm13, v10  }
0x3a: {  	v9 =	vld [tilespmem:s14+$0xFFFFF000]  }
0x3b: {  	v10 =	vld [tilespmem:s14+$0x0];
	_ =	sdelay $0x1  }
0x3c: {  	v11 =	vld [tilespmem:s14+$0x1000];
	_ =	sdelay $0x2  }
0x3d: {  	v9 =	vsub.f32 v9, v6;
	v10 =	vsub.f32 v10, v7;
	_ =	sdelay $0x1  }
0x3e: {  	v11 =	vsub.f32 v11, v8;
	v9 =	vmul.f32 v9, v9;
	v10 =	vmul.f32 v10, v10;
	_ =	sdelay $0x1  }
0x3f: {  	v9 =	vadd.f32 v10, v9;
	v10 =	vmul.f32 v11, v11;
	_ =	sdelay $0x1  }
0x40: {  	v9 =	vadd.f32 v10, v9  }
0x41: {  	s29 =	sadd.s32 $0xFFFFFFF0, s15;
	s28 =	spop (v2sf)  }
0x42: {  	vm14 =	vlt.f32 v9, $6.250000000e-02;
	v9 =	vor.u32 s29, v1;
	s17 =	sadd.s32 s26, s28  }
0x43: {  	[tilespmem:s17+$0x6000] =	vst.msk vm14, v9  }
0x44: {  	v9 =	vld [tilespmem:s14+$0xFFFFF010]  }
0x45: {  	v10 =	vld [tilespmem:s14+$0x10];
	_ =	sdelay $0x1  }
0x46: {  	v11 =	vld [tilespmem:s14+$0x1010];
	_ =	sdelay $0x2  }
0x47: {  	v9 =	vsub.f32 v9, v6;
	v10 =	vsub.f32 v10, v7;
	_ =	sdelay $0x1  }
0x48: {  	v11 =	vsub.f32 v11, v8;
	v9 =	vmul.f32 v9, v9;
	v10 =	vmul.f32 v10, v10;
	_ =	sdelay $0x1  }
0x49: {  	v9 =	vadd.f32 v10, v9;
	v10 =	vmul.f32 v11, v11;
	_ =	sdelay $0x1  }
0x4a: {  	v9 =	vadd.f32 v10, v9;
	_ =	sdelay $0x1  }
0x4b: {  	v10 =	vmpcnt.ones.xlane vm14;
	vm15 =	vlt.f32 v9, $6.250000000e-02  }
0x4c: {  	v9 =	vmpcnt.ones.xlane vm15  }
0x4d: {  	(v2sf) =	vpush v10, $0x0  }
0x4e: {  	(v2sf) =	vpush v9, $0x0;
	_ =	sdelay $0xd  }
0x4f: {  	s30 =	spop (v2sf)  }
0x50: {  	s18 =	sadd.s32 s17, s30;
	s31 =	spop (v2sf)  }
0x51: {  	s17 =	sadd.s32 s18, s31  }
0x52: {  	p0 =	sgt.s32 s17, $0xF  }
0x53: {  	p1 =	slt.u32 @!p0 s16, $0x3F  }
0x54: {  	p0 =	por p0, !p1  }
.Ltmp0:
0x55: {  	_ = 	snop;
	(pc) =	sbr.rel @!p0 .LBB2_3-.Ltmp0, $3  }
0x56: {  	_ =	sdelay $0x1  }
0x57: {  	v9 =	vor.u32 s15, v1  }
0x58: {  	s14 =	sadd.s32 $0x40, s14;
	s15 =	sadd.s32 $0x40, s15;
	[tilespmem:s18+$0x6000] =	vst.msk vm15, v9;
	s16 =	sadd.s32 $0x1, s16  }
0x59: {  	v6 =	vld [tilespmem:$0x6000]  }
0x5a: {  	v7 =	vld.msk [tilespmem:s10+$0x0], $0xffff;
	_ =	sdelay $0x2  }
0x5b: {  	v8 =	vmov s17  }
0x5c: {  	vm0 =	vgt.s32 v8, v1  }
0x5d: {  	v6 =	vsel vm0, v6, v7  }
0x5e: {  	v7 =	vadd.s32 $0x1000, v6;
	_ =	sdelay $0x1  }
0x5f: {  	v5 =	vld.idx.msk [tilespmem:v5+s9+$0x0], $0xffff;
	v62 =	vadd.s32 $0x2000, v6  }
0x60: {  	v4 =	vld.idx.msk [tilespmem:v4+s9+$0x0], $0xffff  }
0x61: {  	v6 =	vld.idx.msk [tilespmem:v6+s9+$0x0], $0xffff  }
0x62: {  	v7 =	vld.idx.msk [tilespmem:v7+s9+$0x0], $0xffff  }
0x63: {  	v3 =	vld.idx.msk [tilespmem:v3+s9+$0x0], $0xffff  }
0x64: {  	v8 =	vld.idx.msk [tilespmem:v62+s9+$0x0], $0xffff;
	_ =	sdelay $0x2  }
0x65: {  	v5 =	vsub.f32 v6, v5;
	v4 =	vsub.f32 v7, v4;
	_ =	sdelay $0x1  }
0x66: {  	v3 =	vsub.f32 v8, v3;
	v5 =	vmul.f32 v5, v5;
	v4 =	vmul.f32 v4, v4;
	_ =	sdelay $0x1  }
0x67: {  	v3 =	vmul.f32 v3, v3;
	v4 =	vadd.f32 v4, v5;
	_ =	sdelay $0x1  }
0x68: {  	v3 =	vadd.f32 v3, v4;
	_ =	sdelay $0x1  }
0x69: {  	v4 =	vshrl.u32 v3, $0x1  }
0x6a: {  	v4 =	vsub.s32 $0x5F3759DF, v4  }
0x6b: {  	v63 =	vmul.f32 v4, v3;
	_ =	sdelay $0x1  }
0x6c: {  	v5 =	vmul.f32 $5.000000000e-01, v63;
	_ =	sdelay $0x1  }
0x6d: {  	v5 =	vmul.f32 v4, v5;
	_ =	sdelay $0x1  }
0x6e: {  	v5 =	vsub.f32 $1.500000000e+00, v5;
	_ =	sdelay $0x1  }
0x6f: {  	v4 =	vmul.f32 v4, v5;
	_ =	sdelay $0x1  }
0x70: {  	v5 =	vmul.f32 v4, v3;
	_ =	sdelay $0x1  }
0x71: {  	v5 =	vmul.f32 $5.000000000e-01, v5;
	_ =	sdelay $0x1  }
0x72: {  	v5 =	vmul.f32 v5, v4;
	_ =	sdelay $0x1  }
0x73: {  	v5 =	vsub.f32 $1.500000000e+00, v5;
	_ =	sdelay $0x1  }
0x74: {  	v4 =	vmul.f32 v5, v4;
	_ =	sdelay $0x1  }
0x75: {  	v5 =	vmul.f32 v4, v3;
	_ =	sdelay $0x1  }
0x76: {  	v5 =	vmul.f32 $5.000000000e-01, v5;
	_ =	sdelay $0x1  }
0x77: {  	v5 =	vmul.f32 v5, v4;
	_ =	sdelay $0x1  }
0x78: {  	s13 =	sadd.s32 $0x1, s13;
	v5 =	vsub.f32 $1.500000000e+00, v5  }
0x79: {  	p0 =	sne.s32 s13, $0x100  }
.Ltmp1:
0x7a: {  	v4 =	vmul.f32 v5, v4;
	(pc) =	sbr.rel @p0 .LBB2_2-.Ltmp1, $3  }
0x7b: {  	_ = 	snop  }
0x7c: {  	v3 =	vmul.f32 v4, v3;
	_ =	sdelay $0x1  }
0x7d: {  	v2 =	vadd.f32 v3, v2  }
0x7e: {  	s12 =	sadd.s32 $0x1, s12  }
0x7f: {  	p0 =	sne.s32 s12, s7  }
.Ltmp2:
0x80: {  	[tilespmem:$0x6080] =	vst v2;
	(pc) =	sbr.rel @p0 .LBB2_1-.Ltmp2, $4  }
0x81: {  	[hbm4b:s6+s2] =	stream.linear.scatter [tilespmem:s11], [sflag:$0x1], $0x80, $0x38;
	[tilespmem:$0x6100] =	vst v63  }
0x82: {  	_ =	swait.ge [sflag:s8], $0x80  }
0x83: {  	[sflag:s8] =	ssyncset.done $0x0  }
0x84: {  	[sflag:s8] =	ssyncadd.s32 $0xFFFFFF80  }
0x85: {  	_ =	sfence.sel $0x180000  }
0x86: {  	[bflag:$0x0] =	sbarrier.arrive $0xFFFF  }
0x87: {  	p0 =	sne.s32 s1, $0x0;
	_ =	strace $0x90000047  }
0x88: {  	s0 =	sadd.s32 @!p0 $0x100000, s0;
	[bflag:$0x2] =	sbarrier.arrive $0xFFFF  }
0x89: {  	[sflag:s0] =	ssyncadd.tile.s32 @!p0 $0x1;
	_ =	shalt  }
.Lfunc_end2:
_tile_overlayer_lowered:
.L_overlay_start_2:
0x8a: {  	(tag) =	ssettag $0x2  }
0x8b: {  	s0 =	rddreg [dreg:$0x0];
	s2 =	stileid.u32  }
0x8c: {  	s1 =	rddreg [dreg:$0x1];
	p0 =	sne.s32 s2, $0x0  }
0x8d: {  	s3 =	rddreg [dreg:$0x2];
	[bflag:$0x3] =	sbarrier.arrive $0xFFFF;
	s2 =	simm.s32 @!p0 $0x1C01  }
0x8e: {  	[timem:s3], [sflag:s2] =	dma.local @!p0 [hbm:s0], s1  }
0x8f: {  	s0 =	simm.s32 @!p0 $0x1  }
0x90: {  	_ =	swait.ge @!p0 [sflag:s0], s1  }
0x91: {  	s1 =	ssub.s32 @!p0 $0x0, s1;
	[sflag:s0] =	ssyncset.done @!p0 $0x0  }
0x92: {  	[sflag:s0] =	ssyncadd.s32 @!p0 s1  }
0x93: {  	[bflag:$0x3] =	sbarrier.arrive $0xFFFF  }
0x94: {  	_ =	shalt  }

</sc_bundles>
